<compile_context>
chip_gen: v7x
topology: tpu7x:2x2x1
jax: 0.10.2.dev20260603
libtpu: 0.0.44.dev20260713+nightly
codegen_flags: <defaults>
</compile_context>

<pallas_src>
import functools

import jax
import jax.numpy as jnp
from jax import lax
from jax.experimental import pallas as pl
from jax.experimental.pallas import tpu as pltpu
from jax.experimental.pallas import tpu_sc as plsc

N = 1048576
M = 16384
D = 64

_NC = 2
_NS = 16
_NW = _NC * _NS
_CHUNK = N // _NW
_LANES = 16


def _sc_gather(total_charge, idx):
    mesh = plsc.VectorSubcoreMesh(core_axis_name="c", subcore_axis_name="s")

    @functools.partial(
        pl.kernel,
        mesh=mesh,
        out_type=jax.ShapeDtypeStruct((N,), jnp.float32),
        scratch_types=[
            pltpu.VMEM((M,), jnp.float32),
            pltpu.VMEM((_CHUNK,), jnp.int32),
            pltpu.VMEM((_CHUNK,), jnp.float32),
        ],
        compiler_params=pltpu.CompilerParams(needs_layout_passes=False),
    )
    def k(tc_hbm, idx_hbm, out_hbm, table_v, idx_v, val_v):
        wid = lax.axis_index("s") * _NC + lax.axis_index("c")
        base = wid * _CHUNK
        pltpu.sync_copy(tc_hbm, table_v)
        pltpu.sync_copy(idx_hbm.at[pl.ds(base, _CHUNK)], idx_v)

        def body(i, carry):
            off = i * _LANES
            iv = idx_v[pl.ds(off, _LANES)]
            val_v[pl.ds(off, _LANES)] = plsc.load_gather(table_v, [iv])
            return carry

        lax.fori_loop(0, _CHUNK // _LANES, body, 0, unroll=8)
        pltpu.sync_copy(val_v, out_hbm.at[pl.ds(base, _CHUNK)])

    return k(total_charge, idx)


def _tc_copy_features(x_t):
    bn = 32768
    grid = (N // bn,)

    def body(x_ref, o_ref):
        o_ref[...] = x_ref[...]

    return pl.pallas_call(
        body,
        grid=grid,
        in_specs=[pl.BlockSpec((D, bn), lambda i: (0, i))],
        out_specs=pl.BlockSpec((D, bn), lambda i: (0, i)),
        out_shape=jax.ShapeDtypeStruct((D + 1, N), jnp.float32),
        compiler_params=pltpu.CompilerParams(
            dimension_semantics=("arbitrary",),
        ),
    )(x_t)


def _tc_fill_charge_row(out_t, g_rows):
    bn = 262144
    gr = bn // 128
    grid = (N // bn,)

    def body(g_ref, _, o_ref):
        o_ref[...] = jnp.broadcast_to(g_ref[...].reshape(1, bn), (8, bn))

    return pl.pallas_call(
        body,
        grid=grid,
        in_specs=[
            pl.BlockSpec((gr, 128), lambda i: (i, 0)),
            pl.BlockSpec(memory_space=pl.ANY),
        ],
        out_specs=pl.BlockSpec((8, bn), lambda i: (D // 8, i)),
        out_shape=jax.ShapeDtypeStruct((D + 1, N), jnp.float32),
        input_output_aliases={1: 0},
        compiler_params=pltpu.CompilerParams(
            dimension_semantics=("arbitrary",),
        ),
    )(g_rows, out_t)


def kernel(per_atom_property_tensor, total_charge, atomic_subsystem_indices):
    idx = atomic_subsystem_indices.astype(jnp.int32)
    g = _sc_gather(total_charge, idx)
    out_t = _tc_copy_features(per_atom_property_tensor.T)
    out_t = _tc_fill_charge_row(out_t, g.reshape(N // 128, 128))
    return out_t.T

# --- scband reference (transcript-rebuilt; emitter-appended) ---
"""Pipeline reference for scband-add-per-molecule-value-14224931685067 (READ-ONLY COPY).

The authoritative reference and input builder live on the scoring server;
editing this copy changes nothing except your own understanding.
"""

import jax, jax.numpy as jnp
import numpy as np

N = 1048576  # total atoms
M = 16384    # molecules
D = 64       # per-atom feature dim

def setup_inputs(seed: int = 0) -> dict:
    key = jax.random.key(seed)
    k1, k2, k3 = jax.random.split(key, 3)
    per_atom_property_tensor = jax.random.normal(k1, (N, D), dtype=jnp.float32)
    total_charge = jax.random.normal(k2, (M,), dtype=jnp.float32)
    atomic_subsystem_indices = jnp.sort(jax.random.randint(k3, (N,), 0, M))
    return {
        "per_atom_property_tensor": per_atom_property_tensor,
        "total_charge": total_charge,
        "atomic_subsystem_indices": atomic_subsystem_indices,
    }

def reference(per_atom_property_tensor, total_charge, atomic_subsystem_indices):
    # torch.unique(sorted_ids, return_counts=True) -> counts per molecule.
    # With all M molecule ids present (guaranteed w.h.p. for N >> M), this equals
    # a fixed-length bincount, which is jit-friendly.
    counts = jnp.bincount(atomic_subsystem_indices, length=M)
    # torch.repeat_interleave(values, counts).unsqueeze(1)
    expanded_values = jnp.repeat(
        total_charge, counts, total_repeat_length=per_atom_property_tensor.shape[0]
    )[:, None]
    return jnp.concatenate((per_atom_property_tensor, expanded_values), axis=1)

if __name__ == "__main__":
    import jax
    _d = setup_inputs()
    print(jax.jit(kernel)(*tuple(_d.values())))

</pallas_src>

<mosaic_0001>
#map = affine_map<(d0, d1) -> (0)>
module attributes {stable_mosaic.version = 14 : i64} {
  func.func @k(%arg0: i32, %arg1: i32, %arg2: memref<16384xf32, #tpu.memory_space<hbm>>, %arg3: memref<1048576xi32, #tpu.memory_space<hbm>>, %arg4: memref<1048576xf32, #tpu.memory_space<hbm>>, %arg5: memref<16384xf32, #tpu.memory_space<vmem>>, %arg6: memref<32768xi32, #tpu.memory_space<vmem>>, %arg7: memref<32768xf32, #tpu.memory_space<vmem>>) attributes {dimension_semantics = [#tpu.dimension_semantics<core_parallel>, #tpu.dimension_semantics<subcore_parallel>], iteration_bounds = array<i64: 2, 16>, scalar_prefetch = 0 : i64, scratch_operands = 3 : i64, tpu.core_type = #tpu.core_type<sc_vector_subcore>, window_params = [{transform_indices = #map}, {transform_indices = #map}, {transform_indices = #map}]} {
    %mul3A = arith.constant 2 : i32
    %mul3A_0 = arith.muli %arg1, %mul3A : i32
    %add3A = arith.addi %mul3A_0, %arg0 : i32
    %mul3A_1 = arith.constant 32768 : i32
    %mul3A_2 = arith.muli %add3A, %mul3A_1 : i32
    "tpu.region"() ({
      %run_scoped3A = tpu.sem_alloc : memref<!tpu.dma_semaphore, #tpu.memory_space<semaphore_mem>>
      tpu.enqueue_dma source(%arg2 : memref<16384xf32, #tpu.memory_space<hbm>>) target(%arg5 : memref<16384xf32, #tpu.memory_space<vmem>>) target_semaphore(%run_scoped3A : memref<!tpu.dma_semaphore, #tpu.memory_space<semaphore_mem>>)
      tpu.wait_dma2 semaphore(%run_scoped3A : memref<!tpu.dma_semaphore, #tpu.memory_space<semaphore_mem>>) src(%arg2 : memref<16384xf32, #tpu.memory_space<hbm>>) dst(%arg5 : memref<16384xf32, #tpu.memory_space<vmem>>)
      tpu.yield
    }) : () -> ()
    "tpu.region"() ({
      %run_scoped3A = tpu.sem_alloc : memref<!tpu.dma_semaphore, #tpu.memory_space<semaphore_mem>>
      %dma_start3A = tpu.memref_slice %arg3[%mul3A_2] : memref<1048576xi32, #tpu.memory_space<hbm>> -> memref<32768xi32, #tpu.memory_space<hbm>>
      %dma_start3A_8 = tpu.memref_slice %arg3[%mul3A_2] : memref<1048576xi32, #tpu.memory_space<hbm>> -> memref<32768xi32, #tpu.memory_space<hbm>>
      tpu.enqueue_dma source(%dma_start3A_8 : memref<32768xi32, #tpu.memory_space<hbm>>) target(%arg6 : memref<32768xi32, #tpu.memory_space<vmem>>) target_semaphore(%run_scoped3A : memref<!tpu.dma_semaphore, #tpu.memory_space<semaphore_mem>>)
      %dma_wait3A = tpu.memref_slice %arg3[%mul3A_2] : memref<1048576xi32, #tpu.memory_space<hbm>> -> memref<32768xi32, #tpu.memory_space<hbm>>
      %dma_wait3A_9 = tpu.memref_slice %arg3[%mul3A_2] : memref<1048576xi32, #tpu.memory_space<hbm>> -> memref<32768xi32, #tpu.memory_space<hbm>>
      tpu.wait_dma2 semaphore(%run_scoped3A : memref<!tpu.dma_semaphore, #tpu.memory_space<semaphore_mem>>) src(%dma_wait3A_9 : memref<32768xi32, #tpu.memory_space<hbm>>) dst(%arg6 : memref<32768xi32, #tpu.memory_space<vmem>>)
      tpu.yield
    }) : () -> ()
    %scan3A = arith.constant 0 : i32
    %scan3A_3 = arith.constant 0 : i32
    %scan3A_4 = arith.constant 2048 : i32
    %scan3A_5 = arith.addi %scan3A_3, %scan3A_4 : i32
    %scan3A_6 = arith.constant 8 : i32
    scf.for %scan3A_8 = %scan3A_3 to %scan3A_5 step %scan3A_6  : i32 {
      %mul3A_9 = arith.constant 16 : i32
      %mul3A_10 = arith.muli %scan3A_8, %mul3A_9 : i32
      %get3A = arith.index_cast %mul3A_10 : i32 to index
      %get3A_11 = tpu.vector_load %arg6[%get3A] {strides = array<i32>} : memref<32768xi32, #tpu.memory_space<vmem>>, vector<16xi32>,
      %gather3A = tpu.vector_load_idx %arg5[%get3A_11] : memref<16384xf32, #tpu.memory_space<vmem>>[vector<16xi32>], vector<16xf32>,
      %swap3A = arith.index_cast %mul3A_10 : i32 to index
      %swap3A_12 = tpu.vector_load %arg7[%swap3A] {strides = array<i32>} : memref<32768xf32, #tpu.memory_space<vmem>>, vector<16xf32>,
      tpu.vector_store %arg7[%swap3A], %gather3A {strides = array<i32>} : memref<32768xf32, #tpu.memory_space<vmem>>, vector<16xf32>,
      %scan3A_13 = arith.constant 1 : i32
      %scan3A_14 = arith.addi %scan3A_8, %scan3A_13 : i32
      %mul3A_15 = arith.constant 16 : i32
      %mul3A_16 = arith.muli %scan3A_14, %mul3A_15 : i32
      %get3A_17 = arith.index_cast %mul3A_16 : i32 to index
      %get3A_18 = tpu.vector_load %arg6[%get3A_17] {strides = array<i32>} : memref<32768xi32, #tpu.memory_space<vmem>>, vector<16xi32>,
      %gather3A_19 = tpu.vector_load_idx %arg5[%get3A_18] : memref<16384xf32, #tpu.memory_space<vmem>>[vector<16xi32>], vector<16xf32>,
      %swap3A_20 = arith.index_cast %mul3A_16 : i32 to index
      %swap3A_21 = tpu.vector_load %arg7[%swap3A_20] {strides = array<i32>} : memref<32768xf32, #tpu.memory_space<vmem>>, vector<16xf32>,
      tpu.vector_store %arg7[%swap3A_20], %gather3A_19 {strides = array<i32>} : memref<32768xf32, #tpu.memory_space<vmem>>, vector<16xf32>,
      %scan3A_22 = arith.constant 2 : i32
      %scan3A_23 = arith.addi %scan3A_8, %scan3A_22 : i32
      %mul3A_24 = arith.constant 16 : i32
      %mul3A_25 = arith.muli %scan3A_23, %mul3A_24 : i32
      %get3A_26 = arith.index_cast %mul3A_25 : i32 to index
      %get3A_27 = tpu.vector_load %arg6[%get3A_26] {strides = array<i32>} : memref<32768xi32, #tpu.memory_space<vmem>>, vector<16xi32>,
      %gather3A_28 = tpu.vector_load_idx %arg5[%get3A_27] : memref<16384xf32, #tpu.memory_space<vmem>>[vector<16xi32>], vector<16xf32>,
      %swap3A_29 = arith.index_cast %mul3A_25 : i32 to index
      %swap3A_30 = tpu.vector_load %arg7[%swap3A_29] {strides = array<i32>} : memref<32768xf32, #tpu.memory_space<vmem>>, vector<16xf32>,
      tpu.vector_store %arg7[%swap3A_29], %gather3A_28 {strides = array<i32>} : memref<32768xf32, #tpu.memory_space<vmem>>, vector<16xf32>,
      %scan3A_31 = arith.constant 3 : i32
      %scan3A_32 = arith.addi %scan3A_8, %scan3A_31 : i32
      %mul3A_33 = arith.constant 16 : i32
      %mul3A_34 = arith.muli %scan3A_32, %mul3A_33 : i32
      %get3A_35 = arith.index_cast %mul3A_34 : i32 to index
      %get3A_36 = tpu.vector_load %arg6[%get3A_35] {strides = array<i32>} : memref<32768xi32, #tpu.memory_space<vmem>>, vector<16xi32>,
      %gather3A_37 = tpu.vector_load_idx %arg5[%get3A_36] : memref<16384xf32, #tpu.memory_space<vmem>>[vector<16xi32>], vector<16xf32>,
      %swap3A_38 = arith.index_cast %mul3A_34 : i32 to index
      %swap3A_39 = tpu.vector_load %arg7[%swap3A_38] {strides = array<i32>} : memref<32768xf32, #tpu.memory_space<vmem>>, vector<16xf32>,
      tpu.vector_store %arg7[%swap3A_38], %gather3A_37 {strides = array<i32>} : memref<32768xf32, #tpu.memory_space<vmem>>, vector<16xf32>,
      %scan3A_40 = arith.constant 4 : i32
      %scan3A_41 = arith.addi %scan3A_8, %scan3A_40 : i32
      %mul3A_42 = arith.constant 16 : i32
      %mul3A_43 = arith.muli %scan3A_41, %mul3A_42 : i32
      %get3A_44 = arith.index_cast %mul3A_43 : i32 to index
      %get3A_45 = tpu.vector_load %arg6[%get3A_44] {strides = array<i32>} : memref<32768xi32, #tpu.memory_space<vmem>>, vector<16xi32>,
      %gather3A_46 = tpu.vector_load_idx %arg5[%get3A_45] : memref<16384xf32, #tpu.memory_space<vmem>>[vector<16xi32>], vector<16xf32>,
      %swap3A_47 = arith.index_cast %mul3A_43 : i32 to index
      %swap3A_48 = tpu.vector_load %arg7[%swap3A_47] {strides = array<i32>} : memref<32768xf32, #tpu.memory_space<vmem>>, vector<16xf32>,
      tpu.vector_store %arg7[%swap3A_47], %gather3A_46 {strides = array<i32>} : memref<32768xf32, #tpu.memory_space<vmem>>, vector<16xf32>,
      %scan3A_49 = arith.constant 5 : i32
      %scan3A_50 = arith.addi %scan3A_8, %scan3A_49 : i32
      %mul3A_51 = arith.constant 16 : i32
      %mul3A_52 = arith.muli %scan3A_50, %mul3A_51 : i32
      %get3A_53 = arith.index_cast %mul3A_52 : i32 to index
      %get3A_54 = tpu.vector_load %arg6[%get3A_53] {strides = array<i32>} : memref<32768xi32, #tpu.memory_space<vmem>>, vector<16xi32>,
      %gather3A_55 = tpu.vector_load_idx %arg5[%get3A_54] : memref<16384xf32, #tpu.memory_space<vmem>>[vector<16xi32>], vector<16xf32>,
      %swap3A_56 = arith.index_cast %mul3A_52 : i32 to index
      %swap3A_57 = tpu.vector_load %arg7[%swap3A_56] {strides = array<i32>} : memref<32768xf32, #tpu.memory_space<vmem>>, vector<16xf32>,
      tpu.vector_store %arg7[%swap3A_56], %gather3A_55 {strides = array<i32>} : memref<32768xf32, #tpu.memory_space<vmem>>, vector<16xf32>,
      %scan3A_58 = arith.constant 6 : i32
      %scan3A_59 = arith.addi %scan3A_8, %scan3A_58 : i32
      %mul3A_60 = arith.constant 16 : i32
      %mul3A_61 = arith.muli %scan3A_59, %mul3A_60 : i32
      %get3A_62 = arith.index_cast %mul3A_61 : i32 to index
      %get3A_63 = tpu.vector_load %arg6[%get3A_62] {strides = array<i32>} : memref<32768xi32, #tpu.memory_space<vmem>>, vector<16xi32>,
      %gather3A_64 = tpu.vector_load_idx %arg5[%get3A_63] : memref<16384xf32, #tpu.memory_space<vmem>>[vector<16xi32>], vector<16xf32>,
      %swap3A_65 = arith.index_cast %mul3A_61 : i32 to index
      %swap3A_66 = tpu.vector_load %arg7[%swap3A_65] {strides = array<i32>} : memref<32768xf32, #tpu.memory_space<vmem>>, vector<16xf32>,
      tpu.vector_store %arg7[%swap3A_65], %gather3A_64 {strides = array<i32>} : memref<32768xf32, #tpu.memory_space<vmem>>, vector<16xf32>,
      %scan3A_67 = arith.constant 7 : i32
      %scan3A_68 = arith.addi %scan3A_8, %scan3A_67 : i32
      %mul3A_69 = arith.constant 16 : i32
      %mul3A_70 = arith.muli %scan3A_68, %mul3A_69 : i32
      %get3A_71 = arith.index_cast %mul3A_70 : i32 to index
      %get3A_72 = tpu.vector_load %arg6[%get3A_71] {strides = array<i32>} : memref<32768xi32, #tpu.memory_space<vmem>>, vector<16xi32>,
      %gather3A_73 = tpu.vector_load_idx %arg5[%get3A_72] : memref<16384xf32, #tpu.memory_space<vmem>>[vector<16xi32>], vector<16xf32>,
      %swap3A_74 = arith.index_cast %mul3A_70 : i32 to index
      %swap3A_75 = tpu.vector_load %arg7[%swap3A_74] {strides = array<i32>} : memref<32768xf32, #tpu.memory_space<vmem>>, vector<16xf32>,
      tpu.vector_store %arg7[%swap3A_74], %gather3A_73 {strides = array<i32>} : memref<32768xf32, #tpu.memory_space<vmem>>, vector<16xf32>,
    }
    %scan3A_7 = arith.constant 2048 : i32
    "tpu.region"() ({
      %run_scoped3A = tpu.sem_alloc : memref<!tpu.dma_semaphore, #tpu.memory_space<semaphore_mem>>
      %dma_start3A = tpu.memref_slice %arg4[%mul3A_2] : memref<1048576xf32, #tpu.memory_space<hbm>> -> memref<32768xf32, #tpu.memory_space<hbm>>
      %dma_start3A_8 = tpu.memref_slice %arg4[%mul3A_2] : memref<1048576xf32, #tpu.memory_space<hbm>> -> memref<32768xf32, #tpu.memory_space<hbm>>
      tpu.enqueue_dma source(%arg7 : memref<32768xf32, #tpu.memory_space<vmem>>) target(%dma_start3A_8 : memref<32768xf32, #tpu.memory_space<hbm>>) target_semaphore(%run_scoped3A : memref<!tpu.dma_semaphore, #tpu.memory_space<semaphore_mem>>)
      %dma_wait3A = tpu.memref_slice %arg4[%mul3A_2] : memref<1048576xf32, #tpu.memory_space<hbm>> -> memref<32768xf32, #tpu.memory_space<hbm>>
      %dma_wait3A_9 = tpu.memref_slice %arg4[%mul3A_2] : memref<1048576xf32, #tpu.memory_space<hbm>> -> memref<32768xf32, #tpu.memory_space<hbm>>
      tpu.wait_dma2 semaphore(%run_scoped3A : memref<!tpu.dma_semaphore, #tpu.memory_space<semaphore_mem>>) src(%arg7 : memref<32768xf32, #tpu.memory_space<vmem>>) dst(%dma_wait3A_9 : memref<32768xf32, #tpu.memory_space<hbm>>)
      tpu.yield
    }) : () -> ()
    return
  }
}

module attributes {stable_mosaic.version = 14 : i64} {
  func.func @body(%arg0: i32, %arg1: memref<64x32768xf32, #tpu.memory_space<vmem>>, %arg2: memref<64x32768xf32, #tpu.memory_space<vmem>>) attributes {dimension_semantics = [#tpu.dimension_semantics<arbitrary>], iteration_bounds = array<i64: 32>, scalar_prefetch = 0 : i64, scratch_operands = 0 : i64, tpu.core_type = #tpu.core_type<tc>, window_params = [{transform_indices = @transform_0, window_bounds = array<i64: 64, 32768>}, {transform_indices = @transform_1, window_bounds = array<i64: 64, 32768>}]} {
    %get3A = arith.constant 0 : index
    %get3A_0 = arith.constant 0 : index
    %get3A_1 = vector.load %arg1[%get3A, %get3A_0] : memref<64x32768xf32, #tpu.memory_space<vmem>>, vector<64x32768xf32>
    %swap3A = arith.constant 0 : index
    %swap3A_2 = arith.constant 0 : index
    %swap3A_3 = vector.load %arg2[%swap3A, %swap3A_2] : memref<64x32768xf32, #tpu.memory_space<vmem>>, vector<64x32768xf32>
    tpu.vector_store %arg2[%swap3A, %swap3A_2], %get3A_1 {strides = array<i32>} : memref<64x32768xf32, #tpu.memory_space<vmem>>, vector<64x32768xf32>,
    return
  }
  func.func @transform_0(%arg0: i32) -> (i32, i32) {
    %c0_i32 = arith.constant 0 : i32
    %c0_i32_0 = arith.constant 0 : i32
    return %c0_i32, %arg0 : i32, i32
  }
  func.func @transform_1(%arg0: i32) -> (i32, i32) {
    %c0_i32 = arith.constant 0 : i32
    %c0_i32_0 = arith.constant 0 : i32
    return %c0_i32, %arg0 : i32, i32
  }
}

module attributes {stable_mosaic.version = 14 : i64} {
  func.func @body(%arg0: i32, %arg1: memref<2048x128xf32, #tpu.memory_space<vmem>>, %arg2: memref<65x1048576xf32, #tpu.memory_space<any>>, %arg3: memref<8x262144xf32, #tpu.memory_space<vmem>>) attributes {dimension_semantics = [#tpu.dimension_semantics<arbitrary>], iteration_bounds = array<i64: 4>, scalar_prefetch = 0 : i64, scratch_operands = 0 : i64, tpu.core_type = #tpu.core_type<tc>, window_params = [{transform_indices = @transform_0, window_bounds = array<i64: 2048, 128>}, {}, {transform_indices = @transform_2, window_bounds = array<i64: 8, 262144>}]} {
    %get3A = arith.constant 0 : index
    %get3A_0 = arith.constant 0 : index
    %get3A_1 = vector.load %arg1[%get3A, %get3A_0] : memref<2048x128xf32, #tpu.memory_space<vmem>>, vector<2048x128xf32>
    %reshape3A = vector.shape_cast %get3A_1 : vector<2048x128xf32> to vector<1x262144xf32>
    %broadcast_in_dim3A = vector.shape_cast %reshape3A : vector<1x262144xf32> to vector<1x262144xf32>
    %broadcast_in_dim3A_2 = vector.broadcast %broadcast_in_dim3A : vector<1x262144xf32> to vector<8x262144xf32>
    %swap3A = arith.constant 0 : index
    %swap3A_3 = arith.constant 0 : index
    %swap3A_4 = vector.load %arg3[%swap3A, %swap3A_3] : memref<8x262144xf32, #tpu.memory_space<vmem>>, vector<8x262144xf32>
    tpu.vector_store %arg3[%swap3A, %swap3A_3], %broadcast_in_dim3A_2 {strides = array<i32>} : memref<8x262144xf32, #tpu.memory_space<vmem>>, vector<8x262144xf32>,
    return
  }
  func.func @transform_0(%arg0: i32) -> (i32, i32) {
    %c0_i32 = arith.constant 0 : i32
    %c0_i32_0 = arith.constant 0 : i32
    return %arg0, %c0_i32 : i32, i32
  }
  func.func @transform_2(%arg0: i32) -> (i32, i32) {
    %c8_i32 = arith.constant 8 : i32
    %c0_i32 = arith.constant 0 : i32
    return %c8_i32, %arg0 : i32, i32
  }
}

</mosaic_0001>

<sc_bundles>
// kernel: kernel.5.cloned.1.call-start
scs
__scs_entry_jumppad:
0x0: {  	(pc) =	sbr.rel $0x88, $3  }
0x1: {  	(tag) =	ssettag $0x0;
	lr =	simm.s32 $0x1  }
0x2: {  	[smem:$0x3F9E] =	sst lr;
	_ =	strace $0xD0000000  }
0x3: {  	_ = 	snop  }
0x4: {  	_ = 	snop  }
0x5: {  	_ = 	snop  }
0x6: {  	_ = 	snop  }
0x7: {  	_ = 	snop  }
__scs_overlays_trampoline_lowered:
0x8: {  	[smem:$0x3FAD] =	sst s0  }
0x9: {  	[smem:$0x3FAE] =	sst s1  }
0xa: {  	[smem:$0x3FAF] =	sst s2  }
0xb: {  	[smem:$0x3FB0] =	sst s3  }
0xc: {  	[smem:$0x3FB1] =	sst s4  }
0xd: {  	[smem:$0x3FB2] =	sst s5  }
0xe: {  	[smem:$0x3FB3] =	sst s6  }
0xf: {  	[smem:$0x3FB4] =	sst s7  }
0x10: {  	[smem:$0x3FB5] =	sst s8  }
0x11: {  	[smem:$0x3FB6] =	sst s9;
	s0 =	simm.s32 @!p0 $0x0  }
0x12: {  	s1 =	sld [smem:$0x3F9C];
	s0 =	simm.s32 @p0 $0x1  }
0x13: {  	[smem:$0x3FB7] =	sst s0;
	s0 =	simm.s32 @!p1 $0x0  }
0x14: {  	s2 =	sld [smem:$0x3F9B];
	s0 =	simm.s32 @p1 $0x1  }
0x15: {  	[smem:$0x3FB8] =	sst s0;
	s0 =	simm.s32 @!p2 $0x0  }
0x16: {  	s3 =	sld [smem:$0x3FDB];
	s0 =	simm.s32 @p2 $0x1  }
0x17: {  	s4 =	simm.s32 $0x1BF5;
	[smem:$0x3FBA] =	sst s0  }
0x18: {  	s0 =	sld [smem:$0x3F9D];
	_ =	swait.ge [sflag:s4], $0x0  }
0x19: {  	s7 =	sld [smem:$0x3F9E]  }
0x1a: {  	s8 =	sadd.s32 $0xFFFFE003, lr  }
0x1b: {  	s9 =	sadd.s32 $0xFFFFFEF7, lr;
	s5 =	simm.s32 $0xFFFFFFFF;
	p2 =	slt.u32 s8, $0xFFFFF086  }
0x1c: {  	p1 =	slt.u32 s9, $0xF7A;
	s5 =	simm.s32 @!p2 $0x0  }
0x1d: {  	s5 =	simm.s32 @p1 $0x1;
	p0 =	seq.s32 s7, s2  }
0x1e: {  	s7 =	smul.u32 @!p0 $0xF7A, s2;
	p2 =	seq.s32 @!p0 s5, $0x0  }
0x1f: {  	s9 =	smul.u32 $0xF7A, s1;
	s8 =	simm.s32 @!p0 $0x1BF5;
	p2 =	por !p2, p0  }
0x20: {  	[sflag:s8] =	ssyncset.s32 @!p0 $0xFFFFF086;
	s6 =	sadd.s32 @!p0 s3, s7;
	s7 =	simm.s32 @!p0 $0x108  }
0x21: {  	s3 =	sadd.s32 s3, s9;
	s6 =	sadd.s32 @!p0 $0x88, s6;
	s7 =	simm.s32 @p2 $0x1082  }
0x22: {  	[simem:s7], [sflag:s8] =	dma.local @!p0 [hbm:s6], $0xF7A  }
0x23: {  	s9 =	sor.u32 $0xD0000000, s2;
	s6 =	simm.s32 $0x108;
	_ =	swait.ge @!p0 [sflag:s8], $0x0  }
0x24: {  	s3 =	sadd.s32 $0x88, s3;
	s6 =	simm.s32 @!p1 $0x1082;
	[sflag:s4] =	ssyncset.s32 $0xFFFFF086  }
0x25: {  	[simem:s6], [sflag:s4] =	dma.local [hbm:s3], $0xF7A  }
0x26: {  	[smem:$0x3F9E] =	sst s1;
	(tag) =	ssettag s2;
	_ =	strace s9  }
0x27: {  	s1 =	sld [smem:$0x3FAE]  }
0x28: {  	s2 =	sld [smem:$0x3FAF]  }
0x29: {  	s4 =	sld [smem:$0x3FB1]  }
0x2a: {  	p0 =	seq.s32 s5, $0x0;
	s5 =	sld [smem:$0x3FB2]  }
0x2b: {  	s6 =	sld [smem:$0x3FB3]  }
0x2c: {  	s7 =	sld [smem:$0x3FB4]  }
0x2d: {  	s3 =	simm.s32 $0x108;
	s8 =	sld [smem:$0x3FB5]  }
0x2e: {  	s3 =	simm.s32 @!p0 $0x1082;
	s9 =	sld [smem:$0x3FB6]  }
0x2f: {  	lr =	sadd.s32 s0, s3;
	s0 =	sld [smem:$0x3FAD]  }
0x30: {  	s3 =	sld [smem:$0x3FB0]  }
0x31: {  	[smem:$0x3FB9] =	sst s10  }
0x32: {  	s10 =	sld [smem:$0x3FB7];
	_ =	sdelay $0x3  }
0x33: {  	p0 =	seq.s32 s10, $0x1;
	s10 =	sld [smem:$0x3FB9];
	_ =	sdelay $0x3  }
0x34: {  	[smem:$0x3FB9] =	sst s10  }
0x35: {  	s10 =	sld [smem:$0x3FB8];
	_ =	sdelay $0x3  }
0x36: {  	p1 =	seq.s32 s10, $0x1;
	s10 =	sld [smem:$0x3FB9];
	_ =	sdelay $0x3  }
0x37: {  	[smem:$0x3FB9] =	sst s10  }
0x38: {  	s10 =	sld [smem:$0x3FBA]  }
0x39: {  	_ = 	snop;
	(pc) =	sbr.ind lr, $3  }
0x3a: {  	_ = 	snop  }
0x3b: {  	_ = 	snop  }
0x3c: {  	p2 =	seq.s32 s10, $0x1;
	s10 =	sld [smem:$0x3FB9]  }
0x3d: {  	_ =	shalt  }
0x3e: {  	_ =	shalt  }
0x3f: {  	_ =	shalt  }
0x40: {  	_ =	shalt  }
0x41: {  	_ =	shalt  }
0x42: {  	_ =	shalt  }
0x43: {  	_ =	shalt  }
0x44: {  	_ =	shalt  }
0x45: {  	_ =	shalt  }
0x46: {  	_ =	shalt  }
0x47: {  	_ =	shalt  }
0x48: {  	_ =	shalt  }
0x49: {  	_ =	shalt  }
0x4a: {  	_ =	shalt  }
0x4b: {  	_ =	shalt  }
0x4c: {  	_ =	shalt  }
0x4d: {  	_ =	shalt  }
0x4e: {  	_ =	shalt  }
0x4f: {  	_ =	shalt  }
0x50: {  	_ =	shalt  }
0x51: {  	_ =	shalt  }
0x52: {  	_ =	shalt  }
0x53: {  	_ =	shalt  }
0x54: {  	_ =	shalt  }
0x55: {  	_ =	shalt  }
0x56: {  	_ =	shalt  }
0x57: {  	_ =	shalt  }
0x58: {  	_ =	shalt  }
0x59: {  	_ =	shalt  }
0x5a: {  	_ =	shalt  }
0x5b: {  	_ =	shalt  }
0x5c: {  	_ =	shalt  }
0x5d: {  	_ =	shalt  }
0x5e: {  	_ =	shalt  }
0x5f: {  	_ =	shalt  }
0x60: {  	_ =	shalt  }
0x61: {  	_ =	shalt  }
0x62: {  	_ =	shalt  }
0x63: {  	_ =	shalt  }
0x64: {  	_ =	shalt  }
0x65: {  	_ =	shalt  }
0x66: {  	_ =	shalt  }
0x67: {  	_ =	shalt  }
0x68: {  	_ =	shalt  }
0x69: {  	_ =	shalt  }
0x6a: {  	_ =	shalt  }
0x6b: {  	_ =	shalt  }
0x6c: {  	_ =	shalt  }
0x6d: {  	_ =	shalt  }
0x6e: {  	_ =	shalt  }
0x6f: {  	_ =	shalt  }
0x70: {  	_ =	shalt  }
0x71: {  	_ =	shalt  }
0x72: {  	_ =	shalt  }
0x73: {  	_ =	shalt  }
0x74: {  	_ =	shalt  }
0x75: {  	_ =	shalt  }
0x76: {  	_ =	shalt  }
0x77: {  	_ =	shalt  }
0x78: {  	_ =	shalt  }
0x79: {  	_ =	shalt  }
0x7a: {  	_ =	shalt  }
0x7b: {  	_ =	shalt  }
0x7c: {  	_ =	shalt  }
0x7d: {  	_ =	shalt  }
0x7e: {  	_ =	shalt  }
0x7f: {  	_ =	shalt  }
0x80: {  	_ =	shalt  }
0x81: {  	_ =	shalt  }
0x82: {  	_ =	shalt  }
0x83: {  	_ =	shalt  }
0x84: {  	_ =	shalt  }
0x85: {  	_ =	shalt  }
0x86: {  	_ =	shalt  }
0x87: {  	_ =	shalt  }
.Lfunc_end0:
.L_simem_size_0:
called_computation_lowered:
.L_overlay_start_0:
0x88: {  	s2 =	sld [smem:$0x3FD9]  }
0x89: {  	s3 =	sld [smem:$0x3FFE];
	_ =	sdelay $0x1  }
0x8a: {  	s1 =	srdreg.scid  }
0x8b: {  	s0 =	sand.u32 $0x1, s1  }
0x8c: {  	s17 =	sshll.u32 s0, $0xA;
	s2 =	sadd.s32 s3, s2  }
0x8d: {  	s2 =	sadd.s32 s2, s17  }
0x8e: {  	[smem:$0x3FC5] =	sst s2  }
0x8f: {  	_ = 	snop  }
0x90: {  	s2 =	sld [smem:$0x3FC8]  }
0x91: {  	s18 =	sld [smem:$0x3FC7];
	(tm) =	ssettm $0x1  }
0x92: {  	s4 =	sld [smem:$0x3FFB];
	_ =	sdelay $0x3  }
0x93: {  	_ =	strace s4  }
0x94: {  	s4 =	sld [smem:$0x3FFC];
	_ =	sdelay $0x3  }
0x95: {  	_ =	strace s4  }
0x96: {  	s4 =	sld [smem:$0x3FFD];
	_ =	sdelay $0x3  }
0x97: {  	_ =	strace s4  }
0x98: {  	_ =	strace $0x8FFFFFFF  }
0x99: {  	s19 =	sld [smem:$0x3FDB];
	_ =	sdelay $0x1  }
0x9a: {  	s5 =	simm.s32 $_scs_section_size  }
0x9b: {  	s6 =	simm.s32 $_size__tile_overlayer_lowered;
	s7 =	simm.s32 $_tile_overlayer_lowered  }
0x9c: {  	s22 =	simm.s32 $0x1BFF;
	s21 =	sshll.u32 s7, $0x1;
	s4 =	sadd.s32 s5, s19  }
0x9d: {  	s8 =	simm.s32 $0x0;
	s20 =	sshll.u32 s6, $0x1;
	s6 =	sadd.s32 s21, s4  }
0x9e: {  	[timem:s8], [sflag:s22] =	dma.local [hbm:s6], s20  }
0x9f: {  	_ =	swait.ge [sflag:s22], s20  }
0xa0: {  	s5 =	ssub.s32 $0x0, s20;
	[sflag:s22] =	ssyncset.done $0x0  }
0xa1: {  	[sflag:s22] =	ssyncadd.s32 s5;
	_ =	sdelay $0x1  }
0xa2: {  	s23 =	simm.s32 $0x1B8B  }
0xa3: {  	_ =	swait.ge [sflag:s23], $0x1  }
0xa4: {  	[sflag:s23] =	ssyncset.done $0x0  }
0xa5: {  	s25 =	simm.s32 $0x1B8E;
	s24 =	sld [smem:$0x3FFE];
	[sflag:s23] =	ssyncadd.s32 $0xFFFFFFFF  }
0xa6: {  	s26 =	simm.s32 $execute0_lowered;
	[smem:$0x3FD2] =	sst s25  }
0xa7: {  	s6 =	sshll.u32 s26, $0x1;
	_ =	strace $0x80000046;
	[dreg:$0x1] =	wrdreg $0xFFFFFFFF  }
0xa8: {  	s28 =	simm.s32 $_size_execute0_lowered;
	s4 =	sadd.s32 s4, s6;
	[dreg:$0x0] =	wrdreg $0x0  }
0xa9: {  	s6 =	sshll.u32 s28, $0x1;
	[dreg:$0x2] =	wrdreg s4  }
0xaa: {  	[dreg:$0x3] =	wrdreg s6  }
0xab: {  	[dreg:$0x4] =	wrdreg $0xC0  }
0xac: {  	_ =	task [dreg:s8], $0x5FFFF  }
0xad: {  	[dreg:$0x1] =	wrdreg $0xFFFFFFFF  }
0xae: {  	[dreg:$0x0] =	wrdreg $0x60  }
0xaf: {  	[dreg:$0x2] =	wrdreg s2  }
0xb0: {  	[dreg:$0x3] =	wrdreg s18  }
0xb1: {  	[dreg:$0x4] =	wrdreg s24  }
0xb2: {  	[dreg:$0x5] =	wrdreg $0x9  }
0xb3: {  	_ =	task.clear_ibuf [dreg:s8], $0x6FFFF;
	_ =	strace $0x90000046  }
0xb4: {  	s29 =	simm.s32 $0x9;
	_ =	strace $0x80000048  }
0xb5: {  	_ =	swait.ge [sflag:s29], $0x1  }
0xb6: {  	[sflag:s29] =	ssyncadd.s32 $0xFFFFFFFF  }
0xb7: {  	_ =	strace $0x90000048  }
0xb8: {  	_ =	sfence  }
0xb9: {  	s30 =	sld [smem:$0x0];
	_ =	sdelay $0x2  }
0xba: {  	s31 =	sshll.u32 s1, $0xD;
	s1 =	sshrl.u32 s1, $0x2  }
0xbb: {  	s3 =	sand.u32 $0x4000, s31;
	s1 =	sadd.s32 s1, s30  }
0xbc: {  	s0 =	sor.u32 s3, s0;
	s1 =	sshll.u32 s1, $0x11  }
0xbd: {  	s0 =	sor.u32 s1, s0  }
0xbe: {  	s0 =	sadd.s32 $0x8F2B, s0  }
0xbf: {  	[sflag:s0] =	ssyncadd.remote.s32 $0x1  }
0xc0: {  	_ =	sfence.sel $0xFFFF  }
0xc1: {  	[dreg:$0x0] =	wrdreg $0xFFFFFFFF;
	(pc) =	sbr.abs _section_cstart, $3  }
0xc2: {  	[dreg:$0x1] =	wrdreg $0xFFFFFFFF  }
0xc3: {  	_ =	task.clear_ibuf [dreg:s8], $0x2FFFF;
	_ =	strace $0x9FFFFFFF  }
0xc4: {  	(tm) =	ssettm $0x7FFFFFFF  }
0xc5: {  	_ =	shalt  }
tec
execute0_lowered:
.L_overlay_start_1:
0x0: {  	(tag) =	ssettag $0x1  }
0x1: {  	s1 =	rddreg [dreg:$0x0]  }
0x2: {  	s4 =	rddreg [dreg:$0x1]  }
0x3: {  	s5 =	rddreg [dreg:$0x2]  }
0x4: {  	s0 =	rddreg [dreg:$0x3];
	s3 =	simm.s32 $0x0;
	s6 =	srdreg.scid  }
0x5: {  	s2 =	stileid.u32;
	s9 =	simm.s32 $0xC000;
	s10 =	simm.s32 $0x0  }
0x6: {  	[smem:$0x7FF] =	sst s3;
	s6 =	sand.u32 $0x1, s6;
	s7 =	sshll.u32 s2, $0xD  }
0x7: {  	s8 =	sshll.u32 s6, $0xC;
	s6 =	ssub.s32 $0x2, s6;
	_ =	strace $0x80000047  }
0x8: {  	s7 =	sor.u32 s8, s7;
	s31 =	sshrl.u32 s6, $0x1;
	s8 =	simm.s32 $0x4000  }
0x9: {  	s5 =	sadd.s32 s7, s5;
	s6 =	ssub.s32 s6, s31;
	s4 =	sadd.s32 s4, s7  }
0xa: {  	s7 =	simm.s32 $0x1;
	s5 =	sadd.s32 $0x600, s5;
	s6 =	smax.u32 s6, $0x1  }
.LBB2_1:
0xb: {  	[tilespmem:s3], [sflag:$0x1] =	stream.linear.gather [hbm4b:s1+s3], $0x4000, $0x38;
	[tilespmem:$0x14000] =	vst v63  }
0xc: {  	_ =	swait.ge [sflag:s7], $0x4000  }
0xd: {  	[sflag:s7] =	ssyncset.done $0x0  }
0xe: {  	[sflag:s7] =	ssyncadd.s32 $0xFFFFC000  }
0xf: {  	[tilespmem:s8], [sflag:$0x1] =	stream.linear.gather [hbm4b:s4+s3], $0x8000, $0x38;
	[tilespmem:$0x14000] =	vst v63  }
0x10: {  	_ =	swait.ge [sflag:s7], $0x8000  }
0x11: {  	s11 =	simm.s32 $0xFFFFFFF8;
	[sflag:s7] =	ssyncset.done $0x0  }
0x12: {  	s12 =	simm.s32 $0x4040;
	s13 =	simm.s32 $0xC040;
	[sflag:s7] =	ssyncadd.s32 $0xFFFF8000  }
.LBB2_2:
0x13: {  	v0 =	vld [tilespmem:s12+$0xFFFFFFC0];
	_ =	sdelay $0x7  }
0x14: {  	v0 =	vld.idx.msk [tilespmem:v0+s3+$0x0], $0xffff;
	_ =	sdelay $0x4  }
0x15: {  	[tilespmem:s13+$0xFFFFFFC0] =	vst v0  }
0x16: {  	v0 =	vld [tilespmem:s12+$0xFFFFFFD0];
	_ =	sdelay $0x7  }
0x17: {  	v0 =	vld.idx.msk [tilespmem:v0+s3+$0x0], $0xffff;
	_ =	sdelay $0x4  }
0x18: {  	[tilespmem:s13+$0xFFFFFFD0] =	vst v0  }
0x19: {  	v0 =	vld [tilespmem:s12+$0xFFFFFFE0];
	_ =	sdelay $0x7  }
0x1a: {  	v0 =	vld.idx.msk [tilespmem:v0+s3+$0x0], $0xffff;
	_ =	sdelay $0x4  }
0x1b: {  	[tilespmem:s13+$0xFFFFFFE0] =	vst v0  }
0x1c: {  	v0 =	vld [tilespmem:s12+$0xFFFFFFF0];
	_ =	sdelay $0x7  }
0x1d: {  	v0 =	vld.idx.msk [tilespmem:v0+s3+$0x0], $0xffff;
	_ =	sdelay $0x4  }
0x1e: {  	[tilespmem:s13+$0xFFFFFFF0] =	vst v0  }
0x1f: {  	v0 =	vld [tilespmem:s12+$0x0];
	_ =	sdelay $0x7  }
0x20: {  	v0 =	vld.idx.msk [tilespmem:v0+s3+$0x0], $0xffff;
	_ =	sdelay $0x4  }
0x21: {  	[tilespmem:s13+$0x0] =	vst v0  }
0x22: {  	v0 =	vld [tilespmem:s12+$0x10];
	_ =	sdelay $0x7  }
0x23: {  	v0 =	vld.idx.msk [tilespmem:v0+s3+$0x0], $0xffff;
	_ =	sdelay $0x4  }
0x24: {  	[tilespmem:s13+$0x10] =	vst v0  }
0x25: {  	v0 =	vld [tilespmem:s12+$0x20];
	_ =	sdelay $0x7  }
0x26: {  	v0 =	vld.idx.msk [tilespmem:v0+s3+$0x0], $0xffff;
	_ =	sdelay $0x4  }
0x27: {  	[tilespmem:s13+$0x20] =	vst v0  }
0x28: {  	v0 =	vld [tilespmem:s12+$0x30];
	_ =	sdelay $0x6  }
0x29: {  	s11 =	sadd.s32 $0x8, s11  }
0x2a: {  	p0 =	slt.u32 s11, $0x7F8;
	v0 =	vld.idx.msk [tilespmem:v0+s3+$0x0], $0xffff  }
.Ltmp0:
0x2b: {  	_ = 	snop;
	(pc) =	sbr.rel @p0 .LBB2_2-.Ltmp0, $2  }
0x2c: {  	_ =	sdelay $0x2  }
0x2d: {  	s12 =	sadd.s32 $0x80, s12;
	[tilespmem:s13+$0x30] =	vst v0;
	s13 =	sadd.s32 $0x80, s13  }
0x2e: {  	s10 =	sadd.s32 $0x1, s10  }
0x2f: {  	p0 =	sne.s32 s10, s6  }
.Ltmp1:
0x30: {  	_ = 	snop;
	(pc) =	sbr.rel @p0 .LBB2_1-.Ltmp1, $4  }
0x31: {  	[hbm4b:s5+s3] =	stream.linear.scatter [tilespmem:s9], [sflag:$0x1], $0x8000, $0x38;
	[tilespmem:$0x14000] =	vst v63  }
0x32: {  	_ =	swait.ge [sflag:s7], $0x8000  }
0x33: {  	[sflag:s7] =	ssyncset.done $0x0  }
0x34: {  	[sflag:s7] =	ssyncadd.s32 $0xFFFF8000  }
0x35: {  	_ =	sfence.sel $0x180000  }
0x36: {  	[bflag:$0x0] =	sbarrier.arrive $0xFFFF  }
0x37: {  	p0 =	sne.s32 s2, $0x0;
	_ =	strace $0x90000047  }
0x38: {  	s0 =	sadd.s32 @!p0 $0x100000, s0;
	[bflag:$0x2] =	sbarrier.arrive $0xFFFF  }
0x39: {  	[sflag:s0] =	ssyncadd.tile.s32 @!p0 $0x1;
	_ =	shalt  }
.Lfunc_end2:
_tile_overlayer_lowered:
.L_overlay_start_2:
0x3a: {  	(tag) =	ssettag $0x2  }
0x3b: {  	s0 =	rddreg [dreg:$0x0];
	s2 =	stileid.u32  }
0x3c: {  	s1 =	rddreg [dreg:$0x1];
	p0 =	sne.s32 s2, $0x0  }
0x3d: {  	s3 =	rddreg [dreg:$0x2];
	[bflag:$0x3] =	sbarrier.arrive $0xFFFF;
	s2 =	simm.s32 @!p0 $0x1C01  }
0x3e: {  	[timem:s3], [sflag:s2] =	dma.local @!p0 [hbm:s0], s1  }
0x3f: {  	s0 =	simm.s32 @!p0 $0x1  }
0x40: {  	_ =	swait.ge @!p0 [sflag:s0], s1  }
0x41: {  	s1 =	ssub.s32 @!p0 $0x0, s1;
	[sflag:s0] =	ssyncset.done @!p0 $0x0  }
0x42: {  	[sflag:s0] =	ssyncadd.s32 @!p0 s1  }
0x43: {  	[bflag:$0x3] =	sbarrier.arrive $0xFFFF  }
0x44: {  	_ =	shalt  }

</sc_bundles>
